<compile_context>
chip_gen: v7x
topology: tpu7x:2x2x1
jax: 0.10.2.dev20260603
libtpu: 0.0.44.dev20260713+nightly
codegen_flags: <defaults>
</compile_context>

<pallas_src>
import functools

import jax
import jax.numpy as jnp
from jax import lax
from jax.experimental import pallas as pl
from jax.experimental.pallas import tpu as pltpu
from jax.experimental.pallas import tpu_sc as plsc

NUM_CODES = 8192
DIM = 32
NPIX = 8192
PB = 256
CK = 2048
NCHUNK = NUM_CODES // CK
COMMIT = 0.25

NWORKERS = 32
BPW = NPIX // NWORKERS
IDX_CHUNK = 128


def _argmin_body(z_ref, z2_ref, cb_ref, c2_ref, lanef_ref, idx_ref, zf_ref,
                 d_ref):
    zt = z_ref[0]
    z2 = z2_ref[...]
    zf_ref[...] = jnp.transpose(zt, (1, 0))
    ms = []
    for j in range(NCHUNK):
        cb = cb_ref[j * CK:(j + 1) * CK, :]
        c2 = c2_ref[:, j * CK:(j + 1) * CK]
        s = lax.dot_general(zt, cb, (((0,), (1,)), ((), ())),
                            preferred_element_type=jnp.float32)
        d = (z2 + c2) + s * jnp.float32(-2.0)
        d_ref[:, j * CK:(j + 1) * CK] = d
        ms.append(jnp.min(d, axis=1, keepdims=True))
    best = jnp.full((PB, 1), jnp.inf, dtype=jnp.float32)
    tsel = jnp.zeros((PB, 1), dtype=jnp.int32)
    for j in range(NCHUNK):
        upd = best > ms[j]
        best = jnp.where(upd, ms[j], best).astype(jnp.bfloat16).astype(jnp.float32)
        tsel = jnp.where(upd, j, tsel)
    mstar = jnp.where(tsel == 0, ms[0],
                      jnp.where(tsel == 1, ms[1],
                                jnp.where(tsel == 2, ms[2], ms[3])))
    d01 = jnp.where(tsel == 0, d_ref[:, 0:CK], d_ref[:, CK:2 * CK])
    d23 = jnp.where(tsel == 2, d_ref[:, 2 * CK:3 * CK], d_ref[:, 3 * CK:4 * CK])
    dw = jnp.where(tsel <= 1, d01, d23)
    lanef = lanef_ref[...]
    lif = jnp.min(jnp.where(dw == mstar, lanef, jnp.float32(1e9)),
                  axis=1, keepdims=True)
    idx_ref[...] = lif.astype(jnp.int32) + tsel * CK


def _argmin_call(z3, z2, codebook, c2row):
    return pl.pallas_call(
        _argmin_body,
        grid=(NPIX // PB,),
        in_specs=[
            pl.BlockSpec((1, DIM, PB), lambda i: (i // 4, 0, i % 4)),
            pl.BlockSpec((PB, 1), lambda i: (i, 0)),
            pl.BlockSpec((NUM_CODES, DIM), lambda i: (0, 0)),
            pl.BlockSpec((1, NUM_CODES), lambda i: (0, 0)),
            pl.BlockSpec((1, CK), lambda i: (0, 0)),
        ],
        out_specs=[pl.BlockSpec((PB, 1), lambda i: (i, 0)),
                   pl.BlockSpec((PB, DIM), lambda i: (i, 0))],
        out_shape=[jax.ShapeDtypeStruct((NPIX, 1), jnp.int32),
                   jax.ShapeDtypeStruct((NPIX, DIM), jnp.float32)],
        scratch_shapes=[pltpu.VMEM((PB, NUM_CODES), jnp.float32)],
    )(z3, z2, codebook, c2row,
      lax.broadcasted_iota(jnp.float32, (1, CK), 1))


def _sc_body(cb_hbm, idx_hbm, z_hbm, zq_hbm, parts_hbm,
             idx_v, rows_v, z_v, acc_v, sem):
    wid = lax.axis_index("s") * 2 + lax.axis_index("c")
    base = wid * BPW
    pltpu.sync_copy(idx_hbm.at[pl.ds(wid * 2, 2)], idx_v)
    cp0 = pltpu.async_copy(cb_hbm.at[idx_v.at[0]],
                           rows_v.at[pl.ds(0, IDX_CHUNK)], sem)
    cp1 = pltpu.async_copy(cb_hbm.at[idx_v.at[1]],
                           rows_v.at[pl.ds(IDX_CHUNK, IDX_CHUNK)], sem)
    pltpu.sync_copy(z_hbm.at[pl.ds(base, BPW)], z_v)
    cp0.wait()
    cp1.wait()

    def body(p, acc):
        r0 = rows_v[p, 0:16]
        r1 = rows_v[p, 16:32]
        x0 = z_v[p, 0:16]
        x1 = z_v[p, 16:32]
        d0 = r0 - x0
        d1 = r1 - x1
        rows_v[p, 0:16] = x0 + d0
        rows_v[p, 16:32] = x1 + d1
        return acc + d0 * d0 + d1 * d1

    acc = lax.fori_loop(0, BPW, body, jnp.zeros((16,), jnp.float32))
    acc_v[...] = acc
    pltpu.sync_copy(rows_v, zq_hbm.at[pl.ds(base, BPW)])
    pltpu.sync_copy(acc_v, parts_hbm.at[wid])


def _sc_call(codebook, idx2d, z_flat):
    fn = pl.kernel(
        _sc_body,
        out_type=(jax.ShapeDtypeStruct((NPIX, DIM), jnp.float32),
                  jax.ShapeDtypeStruct((NWORKERS, 16), jnp.float32)),
        mesh=plsc.VectorSubcoreMesh(core_axis_name="c", subcore_axis_name="s"),
        compiler_params=pltpu.CompilerParams(use_tc_tiling_on_sc=False),
        scratch_types=[
            pltpu.VMEM((2, IDX_CHUNK), jnp.int32),
            pltpu.VMEM((BPW, DIM), jnp.float32),
            pltpu.VMEM((BPW, DIM), jnp.float32),
            pltpu.VMEM((16,), jnp.float32),
            pltpu.SemaphoreType.DMA,
        ],
    )
    return fn(codebook, idx2d, z_flat)


def kernel(z, codebook):
    zt = jnp.transpose(z, (0, 2, 3, 1))
    z2 = jnp.sum(zt.reshape(-1, DIM) ** 2, axis=1, keepdims=True)
    c2row = jnp.sum(codebook ** 2, axis=1)[None, :]
    idx, z_flat = _argmin_call(z.reshape(8, DIM, 1024), z2, codebook, c2row)
    zq_out_flat, parts = _sc_call(codebook, idx.reshape(64, 128), z_flat)
    v = jnp.sum(parts) / (NPIX * DIM)
    loss = v + COMMIT * v
    z_q_out = jnp.transpose(zq_out_flat.reshape(8, 32, 32, DIM), (0, 3, 1, 2))
    indices_out = idx.reshape(8, 32, 32)
    return (z_q_out, loss, indices_out)

# --- scband reference (transcript-rebuilt; emitter-appended) ---
"""Pipeline reference for scband-vector-quantizer-68083821576369 (READ-ONLY COPY).

The authoritative reference and input builder live on the scoring server;
editing this copy changes nothing except your own understanding.
"""

import jax, jax.numpy as jnp
import numpy as np

NUM_CODES = 8192
LATENT_DIM = 32
COMMITMENT_COST = 0.25


def setup_inputs(seed: int = 0) -> dict:
    key = jax.random.key(seed)
    k1, k2 = jax.random.split(key)
    z = jax.random.normal(k1, (8, LATENT_DIM, 32, 32), dtype=jnp.float32)
    codebook = jax.random.uniform(
        k2, (NUM_CODES, LATENT_DIM), dtype=jnp.float32,
        minval=-1.0 / NUM_CODES, maxval=1.0 / NUM_CODES)
    return {"z": z, "codebook": codebook}


def reference(z, codebook):
    # b c h w -> b h w c
    zt = jnp.transpose(z, (0, 2, 3, 1))
    b, h, w, c = zt.shape
    z_flat = zt.reshape(-1, c)
    # squared L2 distances to every codebook entry
    d = (jnp.sum(z_flat ** 2, axis=1, keepdims=True)
         + jnp.sum(codebook ** 2, axis=1)[None, :]
         - 2.0 * (z_flat @ codebook.T))
    indices = jnp.argmin(d, axis=1)
    z_q_flat = jnp.take(codebook, indices, axis=0)
    z_q = z_q_flat.reshape(b, h, w, c)
    indices_out = indices.reshape(b, h, w)
    codebook_loss = jnp.mean((z_q - jax.lax.stop_gradient(zt)) ** 2)
    commitment_loss = jnp.mean((zt - jax.lax.stop_gradient(z_q)) ** 2)
    loss = codebook_loss + COMMITMENT_COST * commitment_loss
    # straight-through estimator
    z_q_st = zt + jax.lax.stop_gradient(z_q - zt)
    z_q_out = jnp.transpose(z_q_st, (0, 3, 1, 2))
    return (z_q_out, loss, indices_out)

if __name__ == "__main__":
    import jax
    _d = setup_inputs()
    print(jax.jit(kernel)(*tuple(_d.values())))

</pallas_src>

<mosaic_0001>
#map = affine_map<(d0, d1) -> (0, 0)>
module attributes {stable_mosaic.version = 14 : i64} {
  func.func @_sc_body(%arg0: i32, %arg1: i32, %arg2: memref<8192x32xf32, #tpu.memory_space<hbm>>, %arg3: memref<64x128xi32, #tpu.memory_space<hbm>>, %arg4: memref<8192x32xf32, #tpu.memory_space<hbm>>, %arg5: memref<8192x32xf32, #tpu.memory_space<hbm>>, %arg6: memref<32x16xf32, #tpu.memory_space<hbm>>, %arg7: memref<2x128xi32, #tpu.memory_space<vmem>>, %arg8: memref<256x32xf32, #tpu.memory_space<vmem>>, %arg9: memref<256x32xf32, #tpu.memory_space<vmem>>, %arg10: memref<16xf32, #tpu.memory_space<vmem>>, %arg11: memref<!tpu.dma_semaphore, #tpu.memory_space<semaphore_mem>>) attributes {dimension_semantics = [#tpu.dimension_semantics<core_parallel>, #tpu.dimension_semantics<subcore_parallel>], iteration_bounds = array<i64: 2, 16>, scalar_prefetch = 0 : i64, scratch_operands = 5 : i64, tpu.core_type = #tpu.core_type<sc_vector_subcore>, window_params = [{transform_indices = #map}, {transform_indices = #map}, {transform_indices = #map}, {transform_indices = #map}, {transform_indices = #map}]} {
    %mul3A = arith.constant 2 : i32
    %mul3A_0 = arith.muli %arg1, %mul3A : i32
    %add3A = arith.addi %mul3A_0, %arg0 : i32
    %mul3A_1 = arith.constant 256 : i32
    %mul3A_2 = arith.muli %add3A, %mul3A_1 : i32
    %mul3A_3 = arith.constant 2 : i32
    %mul3A_4 = arith.muli %add3A, %mul3A_3 : i32
    "tpu.region"() ({
      %run_scoped3A = tpu.sem_alloc : memref<!tpu.dma_semaphore, #tpu.memory_space<semaphore_mem>>
      %dma_start3A_52 = arith.constant 0 : i32
      %dma_start3A_53 = tpu.memref_slice %arg3[%mul3A_4, %dma_start3A_52] : memref<64x128xi32, #tpu.memory_space<hbm>> -> memref<2x128xi32, #tpu.memory_space<hbm>>
      %dma_start3A_54 = arith.constant 0 : i32
      %dma_start3A_55 = tpu.memref_slice %arg3[%mul3A_4, %dma_start3A_54] : memref<64x128xi32, #tpu.memory_space<hbm>> -> memref<2x128xi32, #tpu.memory_space<hbm>>
      tpu.enqueue_dma source(%dma_start3A_55 : memref<2x128xi32, #tpu.memory_space<hbm>>) target(%arg7 : memref<2x128xi32, #tpu.memory_space<vmem>>) target_semaphore(%run_scoped3A : memref<!tpu.dma_semaphore, #tpu.memory_space<semaphore_mem>>)
      %dma_wait3A_56 = arith.constant 0 : i32
      %dma_wait3A_57 = tpu.memref_slice %arg3[%mul3A_4, %dma_wait3A_56] : memref<64x128xi32, #tpu.memory_space<hbm>> -> memref<2x128xi32, #tpu.memory_space<hbm>>
      %dma_wait3A_58 = arith.constant 0 : i32
      %dma_wait3A_59 = tpu.memref_slice %arg3[%mul3A_4, %dma_wait3A_58] : memref<64x128xi32, #tpu.memory_space<hbm>> -> memref<2x128xi32, #tpu.memory_space<hbm>>
      tpu.wait_dma2 semaphore(%run_scoped3A : memref<!tpu.dma_semaphore, #tpu.memory_space<semaphore_mem>>) src(%dma_wait3A_59 : memref<2x128xi32, #tpu.memory_space<hbm>>) dst(%arg7 : memref<2x128xi32, #tpu.memory_space<vmem>>)
      tpu.yield
    }) : () -> ()
    %dma_start3A = arith.constant 0 : i32
    %dma_start3A_5 = arith.constant 0 : i32
    %dma_start3A_6 = arith.constant 0 : i32
    %dma_start3A_7 = tpu.memref_slice %arg8[%dma_start3A_5, %dma_start3A_6] : memref<256x32xf32, #tpu.memory_space<vmem>> -> memref<128x32xf32, #tpu.memory_space<vmem>>
    %dma_start3A_8 = arith.constant 0 : i32
    %dma_start3A_9 = tpu.memref_slice %arg7[%dma_start3A, %dma_start3A_8] : memref<2x128xi32, #tpu.memory_space<vmem>> -> memref<1x128xi32, #tpu.memory_space<vmem>>
    %dma_start3A_10 = tpu.memref_squeeze %dma_start3A_9 : memref<1x128xi32, #tpu.memory_space<vmem>> -> memref<128xi32, #tpu.memory_space<vmem>>
    %dma_start3A_11 = arith.constant 0 : i32
    %dma_start3A_12 = arith.constant 0 : i32
    %dma_start3A_13 = tpu.memref_slice %arg2[%dma_start3A_11, %dma_start3A_12] : memref<8192x32xf32, #tpu.memory_space<hbm>> -> memref<8192x32xf32, #tpu.memory_space<hbm>>
    tpu.enqueue_indirect_dma source(%dma_start3A_13 : memref<8192x32xf32, #tpu.memory_space<hbm>>) target(%dma_start3A_7 : memref<128x32xf32, #tpu.memory_space<vmem>>) offsets(%dma_start3A_10 : memref<128xi32, #tpu.memory_space<vmem>>) semaphore(%arg11 : memref<!tpu.dma_semaphore, #tpu.memory_space<semaphore_mem>>)
    %dma_start3A_14 = arith.constant 1 : i32
    %dma_start3A_15 = arith.constant 128 : i32
    %dma_start3A_16 = arith.constant 0 : i32
    %dma_start3A_17 = tpu.memref_slice %arg8[%dma_start3A_15, %dma_start3A_16] : memref<256x32xf32, #tpu.memory_space<vmem>> -> memref<128x32xf32, #tpu.memory_space<vmem>>
    %dma_start3A_18 = arith.constant 0 : i32
    %dma_start3A_19 = tpu.memref_slice %arg7[%dma_start3A_14, %dma_start3A_18] : memref<2x128xi32, #tpu.memory_space<vmem>> -> memref<1x128xi32, #tpu.memory_space<vmem>>
    %dma_start3A_20 = tpu.memref_squeeze %dma_start3A_19 : memref<1x128xi32, #tpu.memory_space<vmem>> -> memref<128xi32, #tpu.memory_space<vmem>>
    %dma_start3A_21 = arith.constant 0 : i32
    %dma_start3A_22 = arith.constant 0 : i32
    %dma_start3A_23 = tpu.memref_slice %arg2[%dma_start3A_21, %dma_start3A_22] : memref<8192x32xf32, #tpu.memory_space<hbm>> -> memref<8192x32xf32, #tpu.memory_space<hbm>>
    tpu.enqueue_indirect_dma source(%dma_start3A_23 : memref<8192x32xf32, #tpu.memory_space<hbm>>) target(%dma_start3A_17 : memref<128x32xf32, #tpu.memory_space<vmem>>) offsets(%dma_start3A_20 : memref<128xi32, #tpu.memory_space<vmem>>) semaphore(%arg11 : memref<!tpu.dma_semaphore, #tpu.memory_space<semaphore_mem>>)
    "tpu.region"() ({
      %run_scoped3A = tpu.sem_alloc : memref<!tpu.dma_semaphore, #tpu.memory_space<semaphore_mem>>
      %dma_start3A_52 = arith.constant 0 : i32
      %dma_start3A_53 = tpu.memref_slice %arg4[%mul3A_2, %dma_start3A_52] : memref<8192x32xf32, #tpu.memory_space<hbm>> -> memref<256x32xf32, #tpu.memory_space<hbm>>
      %dma_start3A_54 = arith.constant 0 : i32
      %dma_start3A_55 = tpu.memref_slice %arg4[%mul3A_2, %dma_start3A_54] : memref<8192x32xf32, #tpu.memory_space<hbm>> -> memref<256x32xf32, #tpu.memory_space<hbm>>
      tpu.enqueue_dma source(%dma_start3A_55 : memref<256x32xf32, #tpu.memory_space<hbm>>) target(%arg9 : memref<256x32xf32, #tpu.memory_space<vmem>>) target_semaphore(%run_scoped3A : memref<!tpu.dma_semaphore, #tpu.memory_space<semaphore_mem>>)
      %dma_wait3A_56 = arith.constant 0 : i32
      %dma_wait3A_57 = tpu.memref_slice %arg4[%mul3A_2, %dma_wait3A_56] : memref<8192x32xf32, #tpu.memory_space<hbm>> -> memref<256x32xf32, #tpu.memory_space<hbm>>
      %dma_wait3A_58 = arith.constant 0 : i32
      %dma_wait3A_59 = tpu.memref_slice %arg4[%mul3A_2, %dma_wait3A_58] : memref<8192x32xf32, #tpu.memory_space<hbm>> -> memref<256x32xf32, #tpu.memory_space<hbm>>
      tpu.wait_dma2 semaphore(%run_scoped3A : memref<!tpu.dma_semaphore, #tpu.memory_space<semaphore_mem>>) src(%dma_wait3A_59 : memref<256x32xf32, #tpu.memory_space<hbm>>) dst(%arg9 : memref<256x32xf32, #tpu.memory_space<vmem>>)
      tpu.yield
    }) : () -> ()
    %dma_wait3A = arith.constant 0 : i32
    %dma_wait3A_24 = arith.constant 0 : i32
    %dma_wait3A_25 = arith.constant 0 : i32
    %dma_wait3A_26 = tpu.memref_slice %arg8[%dma_wait3A_24, %dma_wait3A_25] : memref<256x32xf32, #tpu.memory_space<vmem>> -> memref<128x32xf32, #tpu.memory_space<vmem>>
    %dma_wait3A_27 = arith.constant 0 : i32
    %dma_wait3A_28 = tpu.memref_slice %arg7[%dma_wait3A, %dma_wait3A_27] : memref<2x128xi32, #tpu.memory_space<vmem>> -> memref<1x128xi32, #tpu.memory_space<vmem>>
    %dma_wait3A_29 = tpu.memref_squeeze %dma_wait3A_28 : memref<1x128xi32, #tpu.memory_space<vmem>> -> memref<128xi32, #tpu.memory_space<vmem>>
    %dma_wait3A_30 = arith.constant 0 : i32
    %dma_wait3A_31 = arith.constant 0 : i32
    %dma_wait3A_32 = tpu.memref_slice %arg2[%dma_wait3A_30, %dma_wait3A_31] : memref<8192x32xf32, #tpu.memory_space<hbm>> -> memref<8192x32xf32, #tpu.memory_space<hbm>>
    tpu.wait_indirect_dma semaphore(%arg11 : memref<!tpu.dma_semaphore, #tpu.memory_space<semaphore_mem>>) src(%dma_wait3A_32 : memref<8192x32xf32, #tpu.memory_space<hbm>>) dst(%dma_wait3A_26 : memref<128x32xf32, #tpu.memory_space<vmem>>)
    %dma_wait3A_33 = arith.constant 1 : i32
    %dma_wait3A_34 = arith.constant 128 : i32
    %dma_wait3A_35 = arith.constant 0 : i32
    %dma_wait3A_36 = tpu.memref_slice %arg8[%dma_wait3A_34, %dma_wait3A_35] : memref<256x32xf32, #tpu.memory_space<vmem>> -> memref<128x32xf32, #tpu.memory_space<vmem>>
    %dma_wait3A_37 = arith.constant 0 : i32
    %dma_wait3A_38 = tpu.memref_slice %arg7[%dma_wait3A_33, %dma_wait3A_37] : memref<2x128xi32, #tpu.memory_space<vmem>> -> memref<1x128xi32, #tpu.memory_space<vmem>>
    %dma_wait3A_39 = tpu.memref_squeeze %dma_wait3A_38 : memref<1x128xi32, #tpu.memory_space<vmem>> -> memref<128xi32, #tpu.memory_space<vmem>>
    %dma_wait3A_40 = arith.constant 0 : i32
    %dma_wait3A_41 = arith.constant 0 : i32
    %dma_wait3A_42 = tpu.memref_slice %arg2[%dma_wait3A_40, %dma_wait3A_41] : memref<8192x32xf32, #tpu.memory_space<hbm>> -> memref<8192x32xf32, #tpu.memory_space<hbm>>
    tpu.wait_indirect_dma semaphore(%arg11 : memref<!tpu.dma_semaphore, #tpu.memory_space<semaphore_mem>>) src(%dma_wait3A_42 : memref<8192x32xf32, #tpu.memory_space<hbm>>) dst(%dma_wait3A_36 : memref<128x32xf32, #tpu.memory_space<vmem>>)
    %broadcast_in_dim3A = arith.constant 0.000000e+00 : f32
    %broadcast_in_dim3A_43 = vector.broadcast %broadcast_in_dim3A : f32 to vector<16xf32>
    %scan3A = arith.constant 0 : i32
    %scan3A_44 = arith.constant 256 : i32
    %scan3A_45 = arith.addi %scan3A, %scan3A_44 : i32
    %scan3A_46 = arith.constant 1 : i32
    %scan3A_47 = scf.for %scan3A_52 = %scan3A to %scan3A_45 step %scan3A_46 iter_args(%scan3A_53 = %broadcast_in_dim3A_43) -> (vector<16xf32>)  : i32 {
      %get3A = arith.index_cast %scan3A_52 : i32 to index
      %get3A_54 = arith.constant 0 : index
      %get3A_55 = tpu.vector_load %arg8[%get3A, %get3A_54] {strides = array<i32>} : memref<256x32xf32, #tpu.memory_space<vmem>>, vector<1x16xf32>,
      %get3A_56 = vector.shape_cast %get3A_55 : vector<1x16xf32> to vector<16xf32>
      %get3A_57 = arith.index_cast %scan3A_52 : i32 to index
      %get3A_58 = arith.constant 16 : index
      %get3A_59 = tpu.vector_load %arg8[%get3A_57, %get3A_58] {strides = array<i32>} : memref<256x32xf32, #tpu.memory_space<vmem>>, vector<1x16xf32>,
      %get3A_60 = vector.shape_cast %get3A_59 : vector<1x16xf32> to vector<16xf32>
      %get3A_61 = arith.index_cast %scan3A_52 : i32 to index
      %get3A_62 = arith.constant 0 : index
      %get3A_63 = tpu.vector_load %arg9[%get3A_61, %get3A_62] {strides = array<i32>} : memref<256x32xf32, #tpu.memory_space<vmem>>, vector<1x16xf32>,
      %get3A_64 = vector.shape_cast %get3A_63 : vector<1x16xf32> to vector<16xf32>
      %get3A_65 = arith.index_cast %scan3A_52 : i32 to index
      %get3A_66 = arith.constant 16 : index
      %get3A_67 = tpu.vector_load %arg9[%get3A_65, %get3A_66] {strides = array<i32>} : memref<256x32xf32, #tpu.memory_space<vmem>>, vector<1x16xf32>,
      %get3A_68 = vector.shape_cast %get3A_67 : vector<1x16xf32> to vector<16xf32>
      %sub3A = arith.subf %get3A_56, %get3A_64 : vector<16xf32>
      %sub3A_69 = arith.subf %get3A_60, %get3A_68 : vector<16xf32>
      %add3A_70 = arith.addf %get3A_64, %sub3A : vector<16xf32>
      %swap3A_71 = arith.index_cast %scan3A_52 : i32 to index
      %swap3A_72 = arith.constant 0 : index
      %swap3A_73 = tpu.vector_load %arg8[%swap3A_71, %swap3A_72] {strides = array<i32>} : memref<256x32xf32, #tpu.memory_space<vmem>>, vector<1x16xf32>,
      %swap3A_74 = vector.shape_cast %swap3A_73 : vector<1x16xf32> to vector<16xf32>
      %swap3A_75 = vector.shape_cast %add3A_70 : vector<16xf32> to vector<1x16xf32>
      tpu.vector_store %arg8[%swap3A_71, %swap3A_72], %swap3A_75 {strides = array<i32>} : memref<256x32xf32, #tpu.memory_space<vmem>>, vector<1x16xf32>,
      %add3A_76 = arith.addf %get3A_68, %sub3A_69 : vector<16xf32>
      %swap3A_77 = arith.index_cast %scan3A_52 : i32 to index
      %swap3A_78 = arith.constant 16 : index
      %swap3A_79 = tpu.vector_load %arg8[%swap3A_77, %swap3A_78] {strides = array<i32>} : memref<256x32xf32, #tpu.memory_space<vmem>>, vector<1x16xf32>,
      %swap3A_80 = vector.shape_cast %swap3A_79 : vector<1x16xf32> to vector<16xf32>
      %swap3A_81 = vector.shape_cast %add3A_76 : vector<16xf32> to vector<1x16xf32>
      tpu.vector_store %arg8[%swap3A_77, %swap3A_78], %swap3A_81 {strides = array<i32>} : memref<256x32xf32, #tpu.memory_space<vmem>>, vector<1x16xf32>,
      %mul3A_82 = arith.mulf %sub3A, %sub3A : vector<16xf32>
      %add3A_83 = arith.addf %scan3A_53, %mul3A_82 : vector<16xf32>
      %mul3A_84 = arith.mulf %sub3A_69, %sub3A_69 : vector<16xf32>
      %add3A_85 = arith.addf %add3A_83, %mul3A_84 : vector<16xf32>
      scf.yield %add3A_85 : vector<16xf32>
    }
    %scan3A_48 = arith.constant 256 : i32
    %swap3A = arith.constant 0 : index
    %swap3A_49 = tpu.vector_load %arg10[%swap3A] {strides = array<i32>} : memref<16xf32, #tpu.memory_space<vmem>>, vector<16xf32>,
    %swap3A_50 = vector.shape_cast %swap3A_49 : vector<16xf32> to vector<16xf32>
    %swap3A_51 = vector.shape_cast %scan3A_47 : vector<16xf32> to vector<16xf32>
    tpu.vector_store %arg10[%swap3A], %swap3A_51 {strides = array<i32>} : memref<16xf32, #tpu.memory_space<vmem>>, vector<16xf32>,
    "tpu.region"() ({
      %run_scoped3A = tpu.sem_alloc : memref<!tpu.dma_semaphore, #tpu.memory_space<semaphore_mem>>
      %dma_start3A_52 = arith.constant 0 : i32
      %dma_start3A_53 = tpu.memref_slice %arg5[%mul3A_2, %dma_start3A_52] : memref<8192x32xf32, #tpu.memory_space<hbm>> -> memref<256x32xf32, #tpu.memory_space<hbm>>
      %dma_start3A_54 = arith.constant 0 : i32
      %dma_start3A_55 = tpu.memref_slice %arg5[%mul3A_2, %dma_start3A_54] : memref<8192x32xf32, #tpu.memory_space<hbm>> -> memref<256x32xf32, #tpu.memory_space<hbm>>
      tpu.enqueue_dma source(%arg8 : memref<256x32xf32, #tpu.memory_space<vmem>>) target(%dma_start3A_55 : memref<256x32xf32, #tpu.memory_space<hbm>>) target_semaphore(%run_scoped3A : memref<!tpu.dma_semaphore, #tpu.memory_space<semaphore_mem>>)
      %dma_wait3A_56 = arith.constant 0 : i32
      %dma_wait3A_57 = tpu.memref_slice %arg5[%mul3A_2, %dma_wait3A_56] : memref<8192x32xf32, #tpu.memory_space<hbm>> -> memref<256x32xf32, #tpu.memory_space<hbm>>
      %dma_wait3A_58 = arith.constant 0 : i32
      %dma_wait3A_59 = tpu.memref_slice %arg5[%mul3A_2, %dma_wait3A_58] : memref<8192x32xf32, #tpu.memory_space<hbm>> -> memref<256x32xf32, #tpu.memory_space<hbm>>
      tpu.wait_dma2 semaphore(%run_scoped3A : memref<!tpu.dma_semaphore, #tpu.memory_space<semaphore_mem>>) src(%arg8 : memref<256x32xf32, #tpu.memory_space<vmem>>) dst(%dma_wait3A_59 : memref<256x32xf32, #tpu.memory_space<hbm>>)
      tpu.yield
    }) : () -> ()
    "tpu.region"() ({
      %run_scoped3A = tpu.sem_alloc : memref<!tpu.dma_semaphore, #tpu.memory_space<semaphore_mem>>
      %dma_start3A_52 = arith.constant 0 : i32
      %dma_start3A_53 = tpu.memref_slice %arg6[%add3A, %dma_start3A_52] : memref<32x16xf32, #tpu.memory_space<hbm>> -> memref<1x16xf32, #tpu.memory_space<hbm>>
      %dma_start3A_54 = tpu.memref_squeeze %dma_start3A_53 : memref<1x16xf32, #tpu.memory_space<hbm>> -> memref<16xf32, #tpu.memory_space<hbm>>
      %dma_start3A_55 = arith.constant 0 : i32
      %dma_start3A_56 = tpu.memref_slice %arg6[%add3A, %dma_start3A_55] : memref<32x16xf32, #tpu.memory_space<hbm>> -> memref<1x16xf32, #tpu.memory_space<hbm>>
      %dma_start3A_57 = tpu.memref_squeeze %dma_start3A_56 : memref<1x16xf32, #tpu.memory_space<hbm>> -> memref<16xf32, #tpu.memory_space<hbm>>
      tpu.enqueue_dma source(%arg10 : memref<16xf32, #tpu.memory_space<vmem>>) target(%dma_start3A_57 : memref<16xf32, #tpu.memory_space<hbm>>) target_semaphore(%run_scoped3A : memref<!tpu.dma_semaphore, #tpu.memory_space<semaphore_mem>>)
      %dma_wait3A_58 = arith.constant 0 : i32
      %dma_wait3A_59 = tpu.memref_slice %arg6[%add3A, %dma_wait3A_58] : memref<32x16xf32, #tpu.memory_space<hbm>> -> memref<1x16xf32, #tpu.memory_space<hbm>>
      %dma_wait3A_60 = tpu.memref_squeeze %dma_wait3A_59 : memref<1x16xf32, #tpu.memory_space<hbm>> -> memref<16xf32, #tpu.memory_space<hbm>>
      %dma_wait3A_61 = arith.constant 0 : i32
      %dma_wait3A_62 = tpu.memref_slice %arg6[%add3A, %dma_wait3A_61] : memref<32x16xf32, #tpu.memory_space<hbm>> -> memref<1x16xf32, #tpu.memory_space<hbm>>
      %dma_wait3A_63 = tpu.memref_squeeze %dma_wait3A_62 : memref<1x16xf32, #tpu.memory_space<hbm>> -> memref<16xf32, #tpu.memory_space<hbm>>
      tpu.wait_dma2 semaphore(%run_scoped3A : memref<!tpu.dma_semaphore, #tpu.memory_space<semaphore_mem>>) src(%arg10 : memref<16xf32, #tpu.memory_space<vmem>>) dst(%dma_wait3A_63 : memref<16xf32, #tpu.memory_space<hbm>>)
      tpu.yield
    }) : () -> ()
    return
  }
}

module attributes {stable_mosaic.version = 14 : i64} {
  func.func @_argmin_body(%arg0: i32, %arg1: memref<1x32x256xf32, #tpu.memory_space<vmem>>, %arg2: memref<256x1xf32, #tpu.memory_space<vmem>>, %arg3: memref<8192x32xf32, #tpu.memory_space<vmem>>, %arg4: memref<1x8192xf32, #tpu.memory_space<vmem>>, %arg5: memref<1x2048xf32, #tpu.memory_space<vmem>>, %arg6: memref<256x1xi32, #tpu.memory_space<vmem>>, %arg7: memref<256x32xf32, #tpu.memory_space<vmem>>, %arg8: memref<256x8192xf32, #tpu.memory_space<vmem>>) attributes {dimension_semantics = [#tpu.dimension_semantics<arbitrary>], iteration_bounds = array<i64: 32>, scalar_prefetch = 0 : i64, scratch_operands = 1 : i64, tpu.core_type = #tpu.core_type<tc>, window_params = [{transform_indices = @transform_0, window_bounds = array<i64: 1, 32, 256>}, {transform_indices = @transform_1, window_bounds = array<i64: 256, 1>}, {pipeline_mode = #tpu.pipeline_mode<synchronous>, transform_indices = @transform_2, window_bounds = array<i64: 8192, 32>}, {pipeline_mode = #tpu.pipeline_mode<synchronous>, transform_indices = @transform_3, window_bounds = array<i64: 1, 8192>}, {pipeline_mode = #tpu.pipeline_mode<synchronous>, transform_indices = @transform_4, window_bounds = array<i64: 1, 2048>}, {transform_indices = @transform_5, window_bounds = array<i64: 256, 1>}, {transform_indices = @transform_6, window_bounds = array<i64: 256, 32>}]} {
    %get3A = arith.constant 0 : index
    %get3A_0 = arith.constant 0 : index
    %get3A_1 = arith.constant 0 : index
    %get3A_2 = vector.load %arg1[%get3A, %get3A_0, %get3A_1] : memref<1x32x256xf32, #tpu.memory_space<vmem>>, vector<1x32x256xf32>
    %get3A_3 = vector.shape_cast %get3A_2 : vector<1x32x256xf32> to vector<32x256xf32>
    %get3A_4 = arith.constant 0 : index
    %get3A_5 = arith.constant 0 : index
    %get3A_6 = vector.load %arg2[%get3A_4, %get3A_5] : memref<256x1xf32, #tpu.memory_space<vmem>>, vector<256x1xf32>
    %transpose3A = tpu.transpose %get3A_3, [1, 0] : vector<32x256xf32> -> vector<256x32xf32>
    %swap3A = arith.constant 0 : index
    %swap3A_7 = arith.constant 0 : index
    %swap3A_8 = vector.load %arg7[%swap3A, %swap3A_7] : memref<256x32xf32, #tpu.memory_space<vmem>>, vector<256x32xf32>
    tpu.vector_store %arg7[%swap3A, %swap3A_7], %transpose3A {strides = array<i32>} : memref<256x32xf32, #tpu.memory_space<vmem>>, vector<256x32xf32>,
    %get3A_9 = arith.constant 0 : index
    %get3A_10 = arith.constant 0 : index
    %get3A_11 = vector.load %arg3[%get3A_9, %get3A_10] : memref<8192x32xf32, #tpu.memory_space<vmem>>, vector<2048x32xf32>
    %get3A_12 = arith.constant 0 : index
    %get3A_13 = arith.constant 0 : index
    %get3A_14 = vector.load %arg4[%get3A_12, %get3A_13] : memref<1x8192xf32, #tpu.memory_space<vmem>>, vector<1x2048xf32>
    %dot_general3A = arith.constant dense<0.000000e+00> : vector<256x2048xf32>
    %dot_general3A_15 = tpu.matmul %get3A_3, %get3A_11, %dot_general3A {dimension_numbers = #tpu.dot_dimension_numbers<[0], [1], [1], [0], [0, 1, 1, 0], [], []>, transpose_lhs_hint = false} : vector<32x256xf32>, vector<2048x32xf32>, vector<256x2048xf32> -> vector<256x2048xf32>
    %add3A = vector.broadcast %get3A_6 : vector<256x1xf32> to vector<256x2048xf32>
    %add3A_16 = vector.broadcast %get3A_14 : vector<1x2048xf32> to vector<256x2048xf32>
    %add3A_17 = arith.addf %add3A, %add3A_16 : vector<256x2048xf32>
    %mul3A = arith.constant -2.000000e+00 : f32
    %mul3A_18 = vector.broadcast %mul3A : f32 to vector<256x2048xf32>
    %mul3A_19 = arith.mulf %dot_general3A_15, %mul3A_18 : vector<256x2048xf32>
    %add3A_20 = arith.addf %add3A_17, %mul3A_19 : vector<256x2048xf32>
    %swap3A_21 = arith.constant 0 : index
    %swap3A_22 = arith.constant 0 : index
    %swap3A_23 = vector.load %arg8[%swap3A_21, %swap3A_22] : memref<256x8192xf32, #tpu.memory_space<vmem>>, vector<256x2048xf32>
    tpu.vector_store %arg8[%swap3A_21, %swap3A_22], %add3A_20 {strides = array<i32>} : memref<256x8192xf32, #tpu.memory_space<vmem>>, vector<256x2048xf32>,
    %reduce_min3A = arith.constant dense<0x7F800000> : vector<256xf32>
    %reduce_min3A_24 = vector.multi_reduction <minimumf>, %add3A_20, %reduce_min3A [1] : vector<256x2048xf32> to vector<256xf32>
    %broadcast_in_dim3A = vector.shape_cast %reduce_min3A_24 : vector<256xf32> to vector<256x1xf32>
    %get3A_25 = arith.constant 2048 : index
    %get3A_26 = arith.constant 0 : index
    %get3A_27 = vector.load %arg3[%get3A_25, %get3A_26] : memref<8192x32xf32, #tpu.memory_space<vmem>>, vector<2048x32xf32>
    %get3A_28 = arith.constant 0 : index
    %get3A_29 = arith.constant 2048 : index
    %get3A_30 = vector.load %arg4[%get3A_28, %get3A_29] : memref<1x8192xf32, #tpu.memory_space<vmem>>, vector<1x2048xf32>
    %dot_general3A_31 = arith.constant dense<0.000000e+00> : vector<256x2048xf32>
    %dot_general3A_32 = tpu.matmul %get3A_3, %get3A_27, %dot_general3A_31 {dimension_numbers = #tpu.dot_dimension_numbers<[0], [1], [1], [0], [0, 1, 1, 0], [], []>, transpose_lhs_hint = false} : vector<32x256xf32>, vector<2048x32xf32>, vector<256x2048xf32> -> vector<256x2048xf32>
    %add3A_33 = vector.broadcast %get3A_6 : vector<256x1xf32> to vector<256x2048xf32>
    %add3A_34 = vector.broadcast %get3A_30 : vector<1x2048xf32> to vector<256x2048xf32>
    %add3A_35 = arith.addf %add3A_33, %add3A_34 : vector<256x2048xf32>
    %mul3A_36 = arith.constant -2.000000e+00 : f32
    %mul3A_37 = vector.broadcast %mul3A_36 : f32 to vector<256x2048xf32>
    %mul3A_38 = arith.mulf %dot_general3A_32, %mul3A_37 : vector<256x2048xf32>
    %add3A_39 = arith.addf %add3A_35, %mul3A_38 : vector<256x2048xf32>
    %swap3A_40 = arith.constant 0 : index
    %swap3A_41 = arith.constant 2048 : index
    %swap3A_42 = vector.load %arg8[%swap3A_40, %swap3A_41] : memref<256x8192xf32, #tpu.memory_space<vmem>>, vector<256x2048xf32>
    tpu.vector_store %arg8[%swap3A_40, %swap3A_41], %add3A_39 {strides = array<i32>} : memref<256x8192xf32, #tpu.memory_space<vmem>>, vector<256x2048xf32>,
    %reduce_min3A_43 = arith.constant dense<0x7F800000> : vector<256xf32>
    %reduce_min3A_44 = vector.multi_reduction <minimumf>, %add3A_39, %reduce_min3A_43 [1] : vector<256x2048xf32> to vector<256xf32>
    %broadcast_in_dim3A_45 = vector.shape_cast %reduce_min3A_44 : vector<256xf32> to vector<256x1xf32>
    %get3A_46 = arith.constant 4096 : index
    %get3A_47 = arith.constant 0 : index
    %get3A_48 = vector.load %arg3[%get3A_46, %get3A_47] : memref<8192x32xf32, #tpu.memory_space<vmem>>, vector<2048x32xf32>
    %get3A_49 = arith.constant 0 : index
    %get3A_50 = arith.constant 4096 : index
    %get3A_51 = vector.load %arg4[%get3A_49, %get3A_50] : memref<1x8192xf32, #tpu.memory_space<vmem>>, vector<1x2048xf32>
    %dot_general3A_52 = arith.constant dense<0.000000e+00> : vector<256x2048xf32>
    %dot_general3A_53 = tpu.matmul %get3A_3, %get3A_48, %dot_general3A_52 {dimension_numbers = #tpu.dot_dimension_numbers<[0], [1], [1], [0], [0, 1, 1, 0], [], []>, transpose_lhs_hint = false} : vector<32x256xf32>, vector<2048x32xf32>, vector<256x2048xf32> -> vector<256x2048xf32>
    %add3A_54 = vector.broadcast %get3A_6 : vector<256x1xf32> to vector<256x2048xf32>
    %add3A_55 = vector.broadcast %get3A_51 : vector<1x2048xf32> to vector<256x2048xf32>
    %add3A_56 = arith.addf %add3A_54, %add3A_55 : vector<256x2048xf32>
    %mul3A_57 = arith.constant -2.000000e+00 : f32
    %mul3A_58 = vector.broadcast %mul3A_57 : f32 to vector<256x2048xf32>
    %mul3A_59 = arith.mulf %dot_general3A_53, %mul3A_58 : vector<256x2048xf32>
    %add3A_60 = arith.addf %add3A_56, %mul3A_59 : vector<256x2048xf32>
    %swap3A_61 = arith.constant 0 : index
    %swap3A_62 = arith.constant 4096 : index
    %swap3A_63 = vector.load %arg8[%swap3A_61, %swap3A_62] : memref<256x8192xf32, #tpu.memory_space<vmem>>, vector<256x2048xf32>
    tpu.vector_store %arg8[%swap3A_61, %swap3A_62], %add3A_60 {strides = array<i32>} : memref<256x8192xf32, #tpu.memory_space<vmem>>, vector<256x2048xf32>,
    %reduce_min3A_64 = arith.constant dense<0x7F800000> : vector<256xf32>
    %reduce_min3A_65 = vector.multi_reduction <minimumf>, %add3A_60, %reduce_min3A_64 [1] : vector<256x2048xf32> to vector<256xf32>
    %broadcast_in_dim3A_66 = vector.shape_cast %reduce_min3A_65 : vector<256xf32> to vector<256x1xf32>
    %get3A_67 = arith.constant 6144 : index
    %get3A_68 = arith.constant 0 : index
    %get3A_69 = vector.load %arg3[%get3A_67, %get3A_68] : memref<8192x32xf32, #tpu.memory_space<vmem>>, vector<2048x32xf32>
    %get3A_70 = arith.constant 0 : index
    %get3A_71 = arith.constant 6144 : index
    %get3A_72 = vector.load %arg4[%get3A_70, %get3A_71] : memref<1x8192xf32, #tpu.memory_space<vmem>>, vector<1x2048xf32>
    %dot_general3A_73 = arith.constant dense<0.000000e+00> : vector<256x2048xf32>
    %dot_general3A_74 = tpu.matmul %get3A_3, %get3A_69, %dot_general3A_73 {dimension_numbers = #tpu.dot_dimension_numbers<[0], [1], [1], [0], [0, 1, 1, 0], [], []>, transpose_lhs_hint = false} : vector<32x256xf32>, vector<2048x32xf32>, vector<256x2048xf32> -> vector<256x2048xf32>
    %add3A_75 = vector.broadcast %get3A_6 : vector<256x1xf32> to vector<256x2048xf32>
    %add3A_76 = vector.broadcast %get3A_72 : vector<1x2048xf32> to vector<256x2048xf32>
    %add3A_77 = arith.addf %add3A_75, %add3A_76 : vector<256x2048xf32>
    %mul3A_78 = arith.constant -2.000000e+00 : f32
    %mul3A_79 = vector.broadcast %mul3A_78 : f32 to vector<256x2048xf32>
    %mul3A_80 = arith.mulf %dot_general3A_74, %mul3A_79 : vector<256x2048xf32>
    %add3A_81 = arith.addf %add3A_77, %mul3A_80 : vector<256x2048xf32>
    %swap3A_82 = arith.constant 0 : index
    %swap3A_83 = arith.constant 6144 : index
    %swap3A_84 = vector.load %arg8[%swap3A_82, %swap3A_83] : memref<256x8192xf32, #tpu.memory_space<vmem>>, vector<256x2048xf32>
    tpu.vector_store %arg8[%swap3A_82, %swap3A_83], %add3A_81 {strides = array<i32>} : memref<256x8192xf32, #tpu.memory_space<vmem>>, vector<256x2048xf32>,
    %reduce_min3A_85 = arith.constant dense<0x7F800000> : vector<256xf32>
    %reduce_min3A_86 = vector.multi_reduction <minimumf>, %add3A_81, %reduce_min3A_85 [1] : vector<256x2048xf32> to vector<256xf32>
    %broadcast_in_dim3A_87 = vector.shape_cast %reduce_min3A_86 : vector<256xf32> to vector<256x1xf32>
    %broadcast_in_dim3A_88 = arith.constant 0x7F800000 : f32
    %broadcast_in_dim3A_89 = vector.broadcast %broadcast_in_dim3A_88 : f32 to vector<256x1xf32>
    %broadcast_in_dim3A_90 = arith.constant 0 : i32
    %broadcast_in_dim3A_91 = vector.broadcast %broadcast_in_dim3A_90 : i32 to vector<256x1xi32>
    %gt3A = arith.cmpf ogt, %broadcast_in_dim3A_89, %broadcast_in_dim3A : vector<256x1xf32>
    %select_n3A = arith.select %gt3A, %broadcast_in_dim3A, %broadcast_in_dim3A_89 : vector<256x1xi1>, vector<256x1xf32>
    %convert_element_type3A = arith.truncf %select_n3A : vector<256x1xf32> to vector<256x1xbf16>
    %convert_element_type3A_92 = arith.extf %convert_element_type3A : vector<256x1xbf16> to vector<256x1xf32>
    %jit3A = arith.constant 0 : i32
    %broadcast_in_dim3A_93 = vector.broadcast %jit3A : i32 to vector<256x1xi32>
    %select_n3A_94 = arith.select %gt3A, %broadcast_in_dim3A_93, %broadcast_in_dim3A_91 : vector<256x1xi1>, vector<256x1xi32>
    %gt3A_95 = arith.cmpf ogt, %convert_element_type3A_92, %broadcast_in_dim3A_45 : vector<256x1xf32>
    %select_n3A_96 = arith.select %gt3A_95, %broadcast_in_dim3A_45, %convert_element_type3A_92 : vector<256x1xi1>, vector<256x1xf32>
    %convert_element_type3A_97 = arith.truncf %select_n3A_96 : vector<256x1xf32> to vector<256x1xbf16>
    %convert_element_type3A_98 = arith.extf %convert_element_type3A_97 : vector<256x1xbf16> to vector<256x1xf32>
    %jit3A_99 = arith.constant 1 : i32
    %broadcast_in_dim3A_100 = vector.broadcast %jit3A_99 : i32 to vector<256x1xi32>
    %select_n3A_101 = arith.select %gt3A_95, %broadcast_in_dim3A_100, %select_n3A_94 : vector<256x1xi1>, vector<256x1xi32>
    %gt3A_102 = arith.cmpf ogt, %convert_element_type3A_98, %broadcast_in_dim3A_66 : vector<256x1xf32>
    %select_n3A_103 = arith.select %gt3A_102, %broadcast_in_dim3A_66, %convert_element_type3A_98 : vector<256x1xi1>, vector<256x1xf32>
    %convert_element_type3A_104 = arith.truncf %select_n3A_103 : vector<256x1xf32> to vector<256x1xbf16>
    %convert_element_type3A_105 = arith.extf %convert_element_type3A_104 : vector<256x1xbf16> to vector<256x1xf32>
    %jit3A_106 = arith.constant 2 : i32
    %broadcast_in_dim3A_107 = vector.broadcast %jit3A_106 : i32 to vector<256x1xi32>
    %select_n3A_108 = arith.select %gt3A_102, %broadcast_in_dim3A_107, %select_n3A_101 : vector<256x1xi1>, vector<256x1xi32>
    %gt3A_109 = arith.cmpf ogt, %convert_element_type3A_105, %broadcast_in_dim3A_87 : vector<256x1xf32>
    %jit3A_110 = arith.constant 3 : i32
    %broadcast_in_dim3A_111 = vector.broadcast %jit3A_110 : i32 to vector<256x1xi32>
    %select_n3A_112 = arith.select %gt3A_109, %broadcast_in_dim3A_111, %select_n3A_108 : vector<256x1xi1>, vector<256x1xi32>
    %eq3A = arith.constant 0 : i32
    %eq3A_113 = vector.broadcast %eq3A : i32 to vector<256x1xi32>
    %eq3A_114 = arith.cmpi eq, %select_n3A_112, %eq3A_113 : vector<256x1xi32>
    %eq3A_115 = arith.constant 1 : i32
    %eq3A_116 = vector.broadcast %eq3A_115 : i32 to vector<256x1xi32>
    %eq3A_117 = arith.cmpi eq, %select_n3A_112, %eq3A_116 : vector<256x1xi32>
    %eq3A_118 = arith.constant 2 : i32
    %eq3A_119 = vector.broadcast %eq3A_118 : i32 to vector<256x1xi32>
    %eq3A_120 = arith.cmpi eq, %select_n3A_112, %eq3A_119 : vector<256x1xi32>
    %select_n3A_121 = arith.select %eq3A_120, %broadcast_in_dim3A_66, %broadcast_in_dim3A_87 : vector<256x1xi1>, vector<256x1xf32>
    %select_n3A_122 = arith.select %eq3A_117, %broadcast_in_dim3A_45, %select_n3A_121 : vector<256x1xi1>, vector<256x1xf32>
    %select_n3A_123 = arith.select %eq3A_114, %broadcast_in_dim3A, %select_n3A_122 : vector<256x1xi1>, vector<256x1xf32>
    %eq3A_124 = arith.constant 0 : i32
    %eq3A_125 = vector.broadcast %eq3A_124 : i32 to vector<256x1xi32>
    %eq3A_126 = arith.cmpi eq, %select_n3A_112, %eq3A_125 : vector<256x1xi32>
    %get3A_127 = arith.constant 0 : index
    %get3A_128 = arith.constant 0 : index
    %get3A_129 = vector.load %arg8[%get3A_127, %get3A_128] : memref<256x8192xf32, #tpu.memory_space<vmem>>, vector<256x2048xf32>
    %get3A_130 = arith.constant 0 : index
    %get3A_131 = arith.constant 2048 : index
    %get3A_132 = vector.load %arg8[%get3A_130, %get3A_131] : memref<256x8192xf32, #tpu.memory_space<vmem>>, vector<256x2048xf32>
    %broadcast_in_dim3A_133 = vector.shape_cast %eq3A_126 : vector<256x1xi1> to vector<256x1xi1>
    %broadcast_in_dim3A_134 = vector.broadcast %broadcast_in_dim3A_133 : vector<256x1xi1> to vector<256x2048xi1>
    %select_n3A_135 = arith.select %broadcast_in_dim3A_134, %get3A_129, %get3A_132 : vector<256x2048xi1>, vector<256x2048xf32>
    %eq3A_136 = arith.constant 2 : i32
    %eq3A_137 = vector.broadcast %eq3A_136 : i32 to vector<256x1xi32>
    %eq3A_138 = arith.cmpi eq, %select_n3A_112, %eq3A_137 : vector<256x1xi32>
    %get3A_139 = arith.constant 0 : index
    %get3A_140 = arith.constant 4096 : index
    %get3A_141 = vector.load %arg8[%get3A_139, %get3A_140] : memref<256x8192xf32, #tpu.memory_space<vmem>>, vector<256x2048xf32>
    %get3A_142 = arith.constant 0 : index
    %get3A_143 = arith.constant 6144 : index
    %get3A_144 = vector.load %arg8[%get3A_142, %get3A_143] : memref<256x8192xf32, #tpu.memory_space<vmem>>, vector<256x2048xf32>
    %broadcast_in_dim3A_145 = vector.shape_cast %eq3A_138 : vector<256x1xi1> to vector<256x1xi1>
    %broadcast_in_dim3A_146 = vector.broadcast %broadcast_in_dim3A_145 : vector<256x1xi1> to vector<256x2048xi1>
    %select_n3A_147 = arith.select %broadcast_in_dim3A_146, %get3A_141, %get3A_144 : vector<256x2048xi1>, vector<256x2048xf32>
    %le3A = arith.constant 1 : i32
    %le3A_148 = vector.broadcast %le3A : i32 to vector<256x1xi32>
    %le3A_149 = arith.cmpi sle, %select_n3A_112, %le3A_148 : vector<256x1xi32>
    %broadcast_in_dim3A_150 = vector.shape_cast %le3A_149 : vector<256x1xi1> to vector<256x1xi1>
    %broadcast_in_dim3A_151 = vector.broadcast %broadcast_in_dim3A_150 : vector<256x1xi1> to vector<256x2048xi1>
    %select_n3A_152 = arith.select %broadcast_in_dim3A_151, %select_n3A_135, %select_n3A_147 : vector<256x2048xi1>, vector<256x2048xf32>
    %get3A_153 = arith.constant 0 : index
    %get3A_154 = arith.constant 0 : index
    %get3A_155 = vector.load %arg5[%get3A_153, %get3A_154] : memref<1x2048xf32, #tpu.memory_space<vmem>>, vector<1x2048xf32>
    %eq3A_156 = vector.broadcast %select_n3A_123 : vector<256x1xf32> to vector<256x2048xf32>
    %eq3A_157 = arith.cmpf oeq, %select_n3A_152, %eq3A_156 : vector<256x2048xf32>
    %jit3A_158 = arith.constant 1.000000e+09 : f32
    %broadcast_in_dim3A_159 = vector.shape_cast %get3A_155 : vector<1x2048xf32> to vector<1x2048xf32>
    %broadcast_in_dim3A_160 = vector.broadcast %broadcast_in_dim3A_159 : vector<1x2048xf32> to vector<256x2048xf32>
    %broadcast_in_dim3A_161 = vector.broadcast %jit3A_158 : f32 to vector<256x2048xf32>
    %select_n3A_162 = arith.select %eq3A_157, %broadcast_in_dim3A_160, %broadcast_in_dim3A_161 : vector<256x2048xi1>, vector<256x2048xf32>
    %reduce_min3A_163 = arith.constant dense<0x7F800000> : vector<256xf32>
    %reduce_min3A_164 = vector.multi_reduction <minimumf>, %select_n3A_162, %reduce_min3A_163 [1] : vector<256x2048xf32> to vector<256xf32>
    %broadcast_in_dim3A_165 = vector.shape_cast %reduce_min3A_164 : vector<256xf32> to vector<256x1xf32>
    %convert_element_type3A_166 = arith.fptosi %broadcast_in_dim3A_165 : vector<256x1xf32> to vector<256x1xi32>
    %mul3A_167 = arith.constant 2048 : i32
    %mul3A_168 = vector.broadcast %mul3A_167 : i32 to vector<256x1xi32>
    %mul3A_169 = arith.muli %select_n3A_112, %mul3A_168 : vector<256x1xi32>
    %add3A_170 = arith.addi %convert_element_type3A_166, %mul3A_169 : vector<256x1xi32>
    %swap3A_171 = arith.constant 0 : index
    %swap3A_172 = arith.constant 0 : index
    %swap3A_173 = vector.load %arg6[%swap3A_171, %swap3A_172] : memref<256x1xi32, #tpu.memory_space<vmem>>, vector<256x1xi32>
    tpu.vector_store %arg6[%swap3A_171, %swap3A_172], %add3A_170 {strides = array<i32>} : memref<256x1xi32, #tpu.memory_space<vmem>>, vector<256x1xi32>,
    return
  }
  func.func @transform_0(%arg0: i32) -> (i32, i32, i32) {
    %jit3A = arith.constant 4 : i32
    %div3A = arith.divsi %arg0, %jit3A : i32
    %sign3A = arith.constant 0 : i32
    %sign3A_0 = arith.cmpi sgt, %arg0, %sign3A : i32
    %sign3A_1 = arith.extui %sign3A_0 : i1 to i32
    %sign3A_2 = arith.constant 0 : i32
    %sign3A_3 = arith.cmpi slt, %arg0, %sign3A_2 : i32
    %sign3A_4 = arith.extui %sign3A_3 : i1 to i32
    %sign3A_5 = arith.subi %sign3A_1, %sign3A_4 : i32
    %sign3A_6 = arith.constant 0 : i32
    %sign3A_7 = arith.cmpi sgt, %jit3A, %sign3A_6 : i32
    %sign3A_8 = arith.extui %sign3A_7 : i1 to i32
    %sign3A_9 = arith.constant 0 : i32
    %sign3A_10 = arith.cmpi slt, %jit3A, %sign3A_9 : i32
    %sign3A_11 = arith.extui %sign3A_10 : i1 to i32
    %sign3A_12 = arith.subi %sign3A_8, %sign3A_11 : i32
    %ne3A = arith.cmpi ne, %sign3A_5, %sign3A_12 : i32
    %rem3A = arith.remsi %arg0, %jit3A : i32
    %ne3A_13 = arith.constant 0 : i32
    %ne3A_14 = arith.cmpi ne, %rem3A, %ne3A_13 : i32
    %and3A = arith.andi %ne3A, %ne3A_14 : i1
    %sub3A = arith.constant 1 : i32
    %sub3A_15 = arith.subi %div3A, %sub3A : i32
    %select_n3A = arith.select %and3A, %sub3A_15, %div3A : i32
    %jit3A_16 = arith.constant 4 : i32
    %eq3A = arith.constant 0 : i32
    %eq3A_17 = arith.cmpi eq, %jit3A_16, %eq3A : i32
    %jit3A_18 = arith.constant 1 : i32
    %select_n3A_19 = arith.select %eq3A_17, %jit3A_18, %jit3A_16 : i32
    %rem3A_20 = arith.remsi %arg0, %select_n3A_19 : i32
    %ne3A_21 = arith.constant 0 : i32
    %ne3A_22 = arith.cmpi ne, %rem3A_20, %ne3A_21 : i32
    %lt3A = arith.constant 0 : i32
    %lt3A_23 = arith.cmpi slt, %rem3A_20, %lt3A : i32
    %lt3A_24 = arith.constant 0 : i32
    %lt3A_25 = arith.cmpi slt, %select_n3A_19, %lt3A_24 : i32
    %ne3A_26 = arith.xori %lt3A_23, %lt3A_25 : i1
    %and3A_27 = arith.andi %ne3A_26, %ne3A_22 : i1
    %add3A = arith.addi %rem3A_20, %select_n3A_19 : i32
    %select_n3A_28 = arith.select %and3A_27, %add3A, %rem3A_20 : i32
    %c0_i32 = arith.constant 0 : i32
    %c0_i32_29 = arith.constant 0 : i32
    return %select_n3A, %c0_i32, %select_n3A_28 : i32, i32, i32
  }
  func.func @transform_1(%arg0: i32) -> (i32, i32) {
    %c0_i32 = arith.constant 0 : i32
    %c0_i32_0 = arith.constant 0 : i32
    return %arg0, %c0_i32 : i32, i32
  }
  func.func @transform_2(%arg0: i32) -> (i32, i32) {
    %c0_i32 = arith.constant 0 : i32
    %c0_i32_0 = arith.constant 0 : i32
    %c0_i32_1 = arith.constant 0 : i32
    return %c0_i32, %c0_i32_0 : i32, i32
  }
  func.func @transform_3(%arg0: i32) -> (i32, i32) {
    %c0_i32 = arith.constant 0 : i32
    %c0_i32_0 = arith.constant 0 : i32
    %c0_i32_1 = arith.constant 0 : i32
    return %c0_i32, %c0_i32_0 : i32, i32
  }
  func.func @transform_4(%arg0: i32) -> (i32, i32) {
    %c0_i32 = arith.constant 0 : i32
    %c0_i32_0 = arith.constant 0 : i32
    %c0_i32_1 = arith.constant 0 : i32
    return %c0_i32, %c0_i32_0 : i32, i32
  }
  func.func @transform_5(%arg0: i32) -> (i32, i32) {
    %c0_i32 = arith.constant 0 : i32
    %c0_i32_0 = arith.constant 0 : i32
    return %arg0, %c0_i32 : i32, i32
  }
  func.func @transform_6(%arg0: i32) -> (i32, i32) {
    %c0_i32 = arith.constant 0 : i32
    %c0_i32_0 = arith.constant 0 : i32
    return %arg0, %c0_i32 : i32, i32
  }
}

</mosaic_0001>

<sc_bundles>
// kernel: kernel.4.cloned.1.call-start
scs
__scs_entry_jumppad:
0x0: {  	(pc) =	sbr.rel $0x88, $3  }
0x1: {  	(tag) =	ssettag $0x0;
	lr =	simm.s32 $0x1  }
0x2: {  	[smem:$0x3F9F] =	sst lr;
	_ =	strace $0xD0000000  }
0x3: {  	_ = 	snop  }
0x4: {  	_ = 	snop  }
0x5: {  	_ = 	snop  }
0x6: {  	_ = 	snop  }
0x7: {  	_ = 	snop  }
__scs_overlays_trampoline_lowered:
0x8: {  	[smem:$0x3FAE] =	sst s0  }
0x9: {  	[smem:$0x3FAF] =	sst s1  }
0xa: {  	[smem:$0x3FB0] =	sst s2  }
0xb: {  	[smem:$0x3FB1] =	sst s3  }
0xc: {  	[smem:$0x3FB2] =	sst s4  }
0xd: {  	[smem:$0x3FB3] =	sst s5  }
0xe: {  	[smem:$0x3FB4] =	sst s6  }
0xf: {  	[smem:$0x3FB5] =	sst s7  }
0x10: {  	[smem:$0x3FB6] =	sst s8  }
0x11: {  	[smem:$0x3FB7] =	sst s9;
	s0 =	simm.s32 @!p0 $0x0  }
0x12: {  	s1 =	sld [smem:$0x3F9D];
	s0 =	simm.s32 @p0 $0x1  }
0x13: {  	[smem:$0x3FB8] =	sst s0;
	s0 =	simm.s32 @!p1 $0x0  }
0x14: {  	s2 =	sld [smem:$0x3F9C];
	s0 =	simm.s32 @p1 $0x1  }
0x15: {  	[smem:$0x3FB9] =	sst s0;
	s0 =	simm.s32 @!p2 $0x0  }
0x16: {  	s3 =	sld [smem:$0x3FDB];
	s0 =	simm.s32 @p2 $0x1  }
0x17: {  	s4 =	simm.s32 $0x1BF5;
	[smem:$0x3FBB] =	sst s0  }
0x18: {  	s0 =	sld [smem:$0x3F9E];
	_ =	swait.ge [sflag:s4], $0x0  }
0x19: {  	s7 =	sld [smem:$0x3F9F]  }
0x1a: {  	s8 =	sadd.s32 $0xFFFFE003, lr  }
0x1b: {  	s9 =	sadd.s32 $0xFFFFFEF7, lr;
	s5 =	simm.s32 $0xFFFFFFFF;
	p2 =	slt.u32 s8, $0xFFFFF086  }
0x1c: {  	p1 =	slt.u32 s9, $0xF7A;
	s5 =	simm.s32 @!p2 $0x0  }
0x1d: {  	s5 =	simm.s32 @p1 $0x1;
	p0 =	seq.s32 s7, s2  }
0x1e: {  	s7 =	smul.u32 @!p0 $0xF7A, s2;
	p2 =	seq.s32 @!p0 s5, $0x0  }
0x1f: {  	s9 =	smul.u32 $0xF7A, s1;
	s8 =	simm.s32 @!p0 $0x1BF5;
	p2 =	por !p2, p0  }
0x20: {  	[sflag:s8] =	ssyncset.s32 @!p0 $0xFFFFF086;
	s6 =	sadd.s32 @!p0 s3, s7;
	s7 =	simm.s32 @!p0 $0x108  }
0x21: {  	s3 =	sadd.s32 s3, s9;
	s6 =	sadd.s32 @!p0 $0x88, s6;
	s7 =	simm.s32 @p2 $0x1082  }
0x22: {  	[simem:s7], [sflag:s8] =	dma.local @!p0 [hbm:s6], $0xF7A  }
0x23: {  	s9 =	sor.u32 $0xD0000000, s2;
	s6 =	simm.s32 $0x108;
	_ =	swait.ge @!p0 [sflag:s8], $0x0  }
0x24: {  	s3 =	sadd.s32 $0x88, s3;
	s6 =	simm.s32 @!p1 $0x1082;
	[sflag:s4] =	ssyncset.s32 $0xFFFFF086  }
0x25: {  	[simem:s6], [sflag:s4] =	dma.local [hbm:s3], $0xF7A  }
0x26: {  	[smem:$0x3F9F] =	sst s1;
	(tag) =	ssettag s2;
	_ =	strace s9  }
0x27: {  	s1 =	sld [smem:$0x3FAF]  }
0x28: {  	s2 =	sld [smem:$0x3FB0]  }
0x29: {  	s4 =	sld [smem:$0x3FB2]  }
0x2a: {  	p0 =	seq.s32 s5, $0x0;
	s5 =	sld [smem:$0x3FB3]  }
0x2b: {  	s6 =	sld [smem:$0x3FB4]  }
0x2c: {  	s7 =	sld [smem:$0x3FB5]  }
0x2d: {  	s3 =	simm.s32 $0x108;
	s8 =	sld [smem:$0x3FB6]  }
0x2e: {  	s3 =	simm.s32 @!p0 $0x1082;
	s9 =	sld [smem:$0x3FB7]  }
0x2f: {  	lr =	sadd.s32 s0, s3;
	s0 =	sld [smem:$0x3FAE]  }
0x30: {  	s3 =	sld [smem:$0x3FB1]  }
0x31: {  	[smem:$0x3FBA] =	sst s10  }
0x32: {  	s10 =	sld [smem:$0x3FB8];
	_ =	sdelay $0x3  }
0x33: {  	p0 =	seq.s32 s10, $0x1;
	s10 =	sld [smem:$0x3FBA];
	_ =	sdelay $0x3  }
0x34: {  	[smem:$0x3FBA] =	sst s10  }
0x35: {  	s10 =	sld [smem:$0x3FB9];
	_ =	sdelay $0x3  }
0x36: {  	p1 =	seq.s32 s10, $0x1;
	s10 =	sld [smem:$0x3FBA];
	_ =	sdelay $0x3  }
0x37: {  	[smem:$0x3FBA] =	sst s10  }
0x38: {  	s10 =	sld [smem:$0x3FBB]  }
0x39: {  	_ = 	snop;
	(pc) =	sbr.ind lr, $3  }
0x3a: {  	_ = 	snop  }
0x3b: {  	_ = 	snop  }
0x3c: {  	p2 =	seq.s32 s10, $0x1;
	s10 =	sld [smem:$0x3FBA]  }
0x3d: {  	_ =	shalt  }
0x3e: {  	_ =	shalt  }
0x3f: {  	_ =	shalt  }
0x40: {  	_ =	shalt  }
0x41: {  	_ =	shalt  }
0x42: {  	_ =	shalt  }
0x43: {  	_ =	shalt  }
0x44: {  	_ =	shalt  }
0x45: {  	_ =	shalt  }
0x46: {  	_ =	shalt  }
0x47: {  	_ =	shalt  }
0x48: {  	_ =	shalt  }
0x49: {  	_ =	shalt  }
0x4a: {  	_ =	shalt  }
0x4b: {  	_ =	shalt  }
0x4c: {  	_ =	shalt  }
0x4d: {  	_ =	shalt  }
0x4e: {  	_ =	shalt  }
0x4f: {  	_ =	shalt  }
0x50: {  	_ =	shalt  }
0x51: {  	_ =	shalt  }
0x52: {  	_ =	shalt  }
0x53: {  	_ =	shalt  }
0x54: {  	_ =	shalt  }
0x55: {  	_ =	shalt  }
0x56: {  	_ =	shalt  }
0x57: {  	_ =	shalt  }
0x58: {  	_ =	shalt  }
0x59: {  	_ =	shalt  }
0x5a: {  	_ =	shalt  }
0x5b: {  	_ =	shalt  }
0x5c: {  	_ =	shalt  }
0x5d: {  	_ =	shalt  }
0x5e: {  	_ =	shalt  }
0x5f: {  	_ =	shalt  }
0x60: {  	_ =	shalt  }
0x61: {  	_ =	shalt  }
0x62: {  	_ =	shalt  }
0x63: {  	_ =	shalt  }
0x64: {  	_ =	shalt  }
0x65: {  	_ =	shalt  }
0x66: {  	_ =	shalt  }
0x67: {  	_ =	shalt  }
0x68: {  	_ =	shalt  }
0x69: {  	_ =	shalt  }
0x6a: {  	_ =	shalt  }
0x6b: {  	_ =	shalt  }
0x6c: {  	_ =	shalt  }
0x6d: {  	_ =	shalt  }
0x6e: {  	_ =	shalt  }
0x6f: {  	_ =	shalt  }
0x70: {  	_ =	shalt  }
0x71: {  	_ =	shalt  }
0x72: {  	_ =	shalt  }
0x73: {  	_ =	shalt  }
0x74: {  	_ =	shalt  }
0x75: {  	_ =	shalt  }
0x76: {  	_ =	shalt  }
0x77: {  	_ =	shalt  }
0x78: {  	_ =	shalt  }
0x79: {  	_ =	shalt  }
0x7a: {  	_ =	shalt  }
0x7b: {  	_ =	shalt  }
0x7c: {  	_ =	shalt  }
0x7d: {  	_ =	shalt  }
0x7e: {  	_ =	shalt  }
0x7f: {  	_ =	shalt  }
0x80: {  	_ =	shalt  }
0x81: {  	_ =	shalt  }
0x82: {  	_ =	shalt  }
0x83: {  	_ =	shalt  }
0x84: {  	_ =	shalt  }
0x85: {  	_ =	shalt  }
0x86: {  	_ =	shalt  }
0x87: {  	_ =	shalt  }
.Lfunc_end0:
.L_simem_size_0:
called_computation_lowered:
.L_overlay_start_0:
0x88: {  	s2 =	sld [smem:$0x3FD9]  }
0x89: {  	s3 =	sld [smem:$0x3FFE];
	_ =	sdelay $0x1  }
0x8a: {  	s1 =	srdreg.scid  }
0x8b: {  	s0 =	sand.u32 $0x1, s1  }
0x8c: {  	s14 =	sshll.u32 s0, $0xA;
	s2 =	sadd.s32 s3, s2  }
0x8d: {  	s2 =	sadd.s32 s2, s14  }
0x8e: {  	[smem:$0x3FC6] =	sst s2  }
0x8f: {  	_ = 	snop  }
0x90: {  	s2 =	sld [smem:$0x3FD0];
	_ =	sdelay $0x2  }
0x91: {  	s15 =	simm.s32 $0xA;
	s4 =	simm.s32 $0x10  }
0x92: {  	[smem:s4], [sflag:s15] =	dma.local [hbm:s2], $0x1  }
0x93: {  	_ =	swait.eq [sflag:s15], $0x1  }
0x94: {  	[sflag:s15] =	ssyncset.done $0x0  }
0x95: {  	[sflag:s15] =	ssyncadd.s32 $0xFFFFFFFF  }
0x96: {  	s16 =	sld [smem:$0x10];
	(tm) =	ssettm $0x1  }
0x97: {  	s17 =	sld [smem:$0x3FFB];
	_ =	sdelay $0x3  }
0x98: {  	_ =	strace s17  }
0x99: {  	s3 =	sld [smem:$0x3FFC];
	_ =	sdelay $0x3  }
0x9a: {  	_ =	strace s3  }
0x9b: {  	s3 =	sld [smem:$0x3FFD];
	_ =	sdelay $0x3  }
0x9c: {  	_ =	strace s3  }
0x9d: {  	_ =	strace $0x8FFFFFFF  }
0x9e: {  	s18 =	sld [smem:$0x3FDB];
	_ =	sdelay $0x1  }
0x9f: {  	s19 =	simm.s32 $_scs_section_size  }
0xa0: {  	s5 =	simm.s32 $_size__tile_overlayer_lowered;
	s6 =	simm.s32 $_tile_overlayer_lowered  }
0xa1: {  	s22 =	simm.s32 $0x1BFF;
	s21 =	sshll.u32 s6, $0x1;
	s3 =	sadd.s32 s19, s18  }
0xa2: {  	s7 =	simm.s32 $0x0;
	s20 =	sshll.u32 s5, $0x1;
	s5 =	sadd.s32 s21, s3  }
0xa3: {  	[timem:s7], [sflag:s22] =	dma.local [hbm:s5], s20  }
0xa4: {  	_ =	swait.ge [sflag:s22], s20  }
0xa5: {  	s4 =	ssub.s32 $0x0, s20;
	[sflag:s22] =	ssyncset.done $0x0  }
0xa6: {  	[sflag:s22] =	ssyncadd.s32 s4;
	_ =	sdelay $0x1  }
0xa7: {  	s23 =	simm.s32 $0x1B8B  }
0xa8: {  	_ =	swait.ge [sflag:s23], $0x1  }
0xa9: {  	[sflag:s23] =	ssyncset.done $0x0  }
0xaa: {  	s25 =	simm.s32 $0x1B8E;
	s24 =	sld [smem:$0x3FFE];
	[sflag:s23] =	ssyncadd.s32 $0xFFFFFFFF  }
0xab: {  	s26 =	simm.s32 $execute0_lowered;
	[smem:$0x3FD2] =	sst s25  }
0xac: {  	s5 =	sshll.u32 s26, $0x1;
	_ =	strace $0x80000046;
	[dreg:$0x1] =	wrdreg $0xFFFFFFFF  }
0xad: {  	s28 =	simm.s32 $_size_execute0_lowered;
	s3 =	sadd.s32 s3, s5;
	[dreg:$0x0] =	wrdreg $0x0  }
0xae: {  	s5 =	sshll.u32 s28, $0x1;
	[dreg:$0x2] =	wrdreg s3  }
0xaf: {  	[dreg:$0x3] =	wrdreg s5  }
0xb0: {  	[dreg:$0x4] =	wrdreg $0xC0  }
0xb1: {  	_ =	task [dreg:s7], $0x5FFFF  }
0xb2: {  	[dreg:$0x1] =	wrdreg $0xFFFFFFFF  }
0xb3: {  	[dreg:$0x0] =	wrdreg $0x60  }
0xb4: {  	[dreg:$0x2] =	wrdreg s16  }
0xb5: {  	[dreg:$0x3] =	wrdreg s24  }
0xb6: {  	[dreg:$0x4] =	wrdreg $0x9  }
0xb7: {  	_ =	task.clear_ibuf [dreg:s7], $0x5FFFF;
	_ =	strace $0x90000046  }
0xb8: {  	s29 =	simm.s32 $0x9;
	_ =	strace $0x80000048  }
0xb9: {  	_ =	swait.ge [sflag:s29], $0x1  }
0xba: {  	[sflag:s29] =	ssyncadd.s32 $0xFFFFFFFF  }
0xbb: {  	_ =	strace $0x90000048  }
0xbc: {  	_ =	sfence  }
0xbd: {  	s30 =	sld [smem:$0x0];
	_ =	sdelay $0x2  }
0xbe: {  	s31 =	sshll.u32 s1, $0xD;
	s1 =	sshrl.u32 s1, $0x2  }
0xbf: {  	s3 =	sand.u32 $0x4000, s31;
	s1 =	sadd.s32 s1, s30  }
0xc0: {  	s0 =	sor.u32 s3, s0;
	s1 =	sshll.u32 s1, $0x11  }
0xc1: {  	s0 =	sor.u32 s1, s0  }
0xc2: {  	s0 =	sadd.s32 $0x8F2B, s0  }
0xc3: {  	[sflag:s0] =	ssyncadd.remote.s32 $0x1  }
0xc4: {  	_ =	sfence.sel $0xFFFF  }
0xc5: {  	[dreg:$0x0] =	wrdreg $0xFFFFFFFF;
	(pc) =	sbr.abs _section_cstart, $3  }
0xc6: {  	[dreg:$0x1] =	wrdreg $0xFFFFFFFF  }
0xc7: {  	_ =	task.clear_ibuf [dreg:s7], $0x2FFFF;
	_ =	strace $0x9FFFFFFF  }
0xc8: {  	(tm) =	ssettm $0x7FFFFFFF  }
0xc9: {  	_ =	shalt  }
tec
execute0_lowered:
.L_overlay_start_1:
0x0: {  	(tag) =	ssettag $0x1  }
0x1: {  	s2 =	rddreg [dreg:$0x0];
	s1 =	srdreg.scid  }
0x2: {  	s0 =	stileid.u32;
	s4 =	rddreg [dreg:$0x1];
	s3 =	simm.s32 $0x0  }
0x3: {  	s10 =	simm.s32 $0x80;
	s11 =	simm.s32 $0x100;
	s12 =	simm.s32 $0x1100  }
0x4: {  	s13 =	simm.s32 $0x2100;
	s14 =	simm.s32 $0x1;
	s15 =	simm.s32 $0x4100  }
0x5: {  	s5 =	sand.u32 $0x1, s1;
	s6 =	sshll.u32 s0, $0x1;
	s1 =	rddreg [dreg:$0x2]  }
0x6: {  	s16 =	simm.s32 $0x0;
	[smem:$0x7FF] =	sst s3;
	s6 =	sor.u32 s5, s6  }
0x7: {  	_ =	strace $0x80000047;
	s5 =	ssub.s32 $0x2, s5;
	s7 =	sshll.u32 s6, $0x5  }
0x8: {  	s8 =	sshll.u32 s6, $0x1;
	s9 =	sshrl.u32 s5, $0x1;
	s6 =	sshll.u32 s6, $0xA  }
0x9: {  	s7 =	sadd.s32 s7, s4;
	s8 =	sadd.s32 s8, s4;
	s4 =	sadd.s32 s4, s6  }
0xa: {  	s9 =	ssub.s32 s5, s9;
	s5 =	sadd.s32 $0x8000, s7;
	s6 =	sadd.s32 $0x8400, s4  }
0xb: {  	s7 =	sadd.s32 $0x10400, s8;
	s8 =	smax.u32 s9, $0x1;
	s9 =	simm.s32 $0x2  }
.LBB2_1:
0xc: {  	[tilespmem:s3], [sflag:$0x2] =	stream.linear.gather [hbm4b:s5+s3], $0x100, $0x38;
	[tilespmem:$0x4110] =	vst v63  }
0xd: {  	_ =	swait.ge [sflag:s9], $0x100  }
0xe: {  	[sflag:s9] =	ssyncset.done $0x0  }
0xf: {  	[sflag:s9] =	ssyncadd.s32 $0xFFFFFF00  }
0x10: {  	[tilespmem:s11], [sflag:$0x1] =	stream.indirect.gather [hbm4b:s2+s10], $0x20, s3, s10, $0xb8;
	[tilespmem:$0x4110] =	vst v63  }
0x11: {  	_ = 	snop  }
0x12: {  	[tilespmem:s12], [sflag:$0x1] =	stream.indirect.gather [hbm4b:s2+s10], $0x20, s10, s10, $0xb8;
	[tilespmem:$0x4110] =	vst v63  }
0x13: {  	_ = 	snop  }
0x14: {  	[tilespmem:s13], [sflag:$0x2] =	stream.linear.gather [hbm4b:s4+s3], $0x2000, $0x38;
	[tilespmem:$0x4110] =	vst v63  }
0x15: {  	_ =	swait.ge [sflag:s9], $0x2000  }
0x16: {  	[sflag:s9] =	ssyncset.done $0x0  }
0x17: {  	[sflag:s9] =	ssyncadd.s32 $0xFFFFE000  }
0x18: {  	_ =	swait.ge [sflag:s14], $0x1000  }
0x19: {  	[sflag:s14] =	ssyncset.done $0x0  }
0x1a: {  	[sflag:s14] =	ssyncadd.s32 $0xFFFFF000  }
0x1b: {  	_ =	swait.ge [sflag:s14], $0x1000  }
0x1c: {  	[sflag:s14] =	ssyncset.done $0x0  }
0x1d: {  	s17 =	simm.s32 $0x0;
	[sflag:s14] =	ssyncadd.s32 $0xFFFFF000  }
0x1e: {  	v3 =	vld [tilespmem:s17+$0x2110]  }
0x1f: {  	v0 =	vld [tilespmem:s17+$0x2100]  }
0x20: {  	v1 =	vld [tilespmem:s17+$0x100]  }
0x21: {  	v2 =	vld [tilespmem:s17+$0x110];
	_ =	sdelay $0x3  }
0x22: {  	v5 =	vsub.f32 v1, v0  }
0x23: {  	v6 =	vsub.f32 v2, v3  }
0x24: {  	s18 =	simm.s32 $0x20;
	v4 =	vadd.f32 v5, v0;
	v2 =	vmul.f32 v5, v5  }
0x25: {  	s19 =	simm.s32 $0x100;
	v1 =	vimm.f32 $0.0e+00;
	v0 =	vld [tilespmem:s18+$0x2110];
	v5 =	vadd.f32 v6, v3;
	v3 =	vmul.f32 v6, v6  }
.LBB2_2:
0x26: {  	p0 =	sne.s32 s19, $0x7F80;
	v6 =	vld [tilespmem:s18+$0x2100];
	[tilespmem:s17+$0x100] =	vst v4;
	v1 =	vadd.f32 v2, v1  }
0x27: {  	v2 =	vld [tilespmem:s18+$0x100];
	[tilespmem:s17+$0x110] =	vst v5;
	s17 =	smov.u32 s18  }
0x28: {  	v4 =	vld [tilespmem:s17+$0x110];
	v1 =	vadd.f32 v3, v1;
	_ =	sdelay $0x2  }
.Ltmp0:
0x29: {  	(pc) =	sbr.rel @p0 .LBB2_2-.Ltmp0, $4  }
0x2a: {  	v2 =	vsub.f32 v2, v6  }
0x2b: {  	v3 =	vsub.f32 v4, v0  }
0x2c: {  	s18 =	sshra.s32 s19, $0x2;
	v4 =	vadd.f32 v2, v6;
	v2 =	vmul.f32 v2, v2  }
0x2d: {  	s19 =	sadd.s32 $0x80, s19;
	v5 =	vadd.f32 v3, v0;
	v0 =	vld [tilespmem:s18+$0x2110];
	v3 =	vmul.f32 v3, v3  }
0x2e: {  	v6 =	vld [tilespmem:s18+$0x2100];
	[tilespmem:s17+$0x100] =	vst v4  }
0x2f: {  	v4 =	vld [tilespmem:s18+$0x100]  }
0x30: {  	[tilespmem:s17+$0x110] =	vst v5  }
0x31: {  	v5 =	vld [tilespmem:s18+$0x110];
	_ =	sdelay $0x2  }
0x32: {  	v1 =	vadd.f32 v2, v1;
	v62 =	vsub.f32 v4, v6;
	_ =	sdelay $0x1  }
0x33: {  	v1 =	vadd.f32 v3, v1;
	v63 =	vsub.f32 v5, v0;
	v4 =	vmul.f32 v62, v62;
	_ =	sdelay $0x1  }
0x34: {  	v2 =	vadd.f32 v62, v6;
	v5 =	vmul.f32 v63, v63;
	v1 =	vadd.f32 v4, v1  }
0x35: {  	v0 =	vadd.f32 v63, v0  }
0x36: {  	[tilespmem:s18+$0x100] =	vst v2;
	v1 =	vadd.f32 v5, v1  }
0x37: {  	[tilespmem:s18+$0x110] =	vst v0  }
0x38: {  	[tilespmem:$0x4100] =	vst v1  }
0x39: {  	[hbm4b:s6+s3] =	stream.linear.scatter [tilespmem:s11], [sflag:$0x2], $0x2000, $0x38;
	[tilespmem:$0x4110] =	vst v63  }
0x3a: {  	s16 =	sadd.s32 $0x1, s16;
	_ =	swait.ge [sflag:s9], $0x2000  }
0x3b: {  	p0 =	sne.s32 s16, s8;
	[sflag:s9] =	ssyncset.done $0x0  }
.Ltmp1:
0x3c: {  	[sflag:s9] =	ssyncadd.s32 $0xFFFFE000;
	(pc) =	sbr.rel @p0 .LBB2_1-.Ltmp1, $4  }
0x3d: {  	[hbm4b:s7+s3] =	stream.linear.scatter [tilespmem:s15], [sflag:$0x2], $0x10, $0x38;
	[tilespmem:$0x4110] =	vst v63  }
0x3e: {  	_ =	swait.ge [sflag:s9], $0x10  }
0x3f: {  	[sflag:s9] =	ssyncset.done $0x0  }
0x40: {  	[sflag:s9] =	ssyncadd.s32 $0xFFFFFFF0  }
0x41: {  	_ =	sfence.sel $0x180000  }
0x42: {  	[bflag:$0x0] =	sbarrier.arrive $0xFFFF  }
0x43: {  	p0 =	sne.s32 s0, $0x0;
	_ =	strace $0x90000047  }
0x44: {  	s0 =	sadd.s32 @!p0 $0x100000, s1;
	[bflag:$0x2] =	sbarrier.arrive $0xFFFF  }
0x45: {  	[sflag:s0] =	ssyncadd.tile.s32 @!p0 $0x1;
	_ =	shalt  }
.Lfunc_end2:
_tile_overlayer_lowered:
.L_overlay_start_2:
0x46: {  	(tag) =	ssettag $0x2  }
0x47: {  	s0 =	rddreg [dreg:$0x0];
	s2 =	stileid.u32  }
0x48: {  	s1 =	rddreg [dreg:$0x1];
	p0 =	sne.s32 s2, $0x0  }
0x49: {  	s3 =	rddreg [dreg:$0x2];
	[bflag:$0x3] =	sbarrier.arrive $0xFFFF;
	s2 =	simm.s32 @!p0 $0x1C02  }
0x4a: {  	[timem:s3], [sflag:s2] =	dma.local @!p0 [hbm:s0], s1  }
0x4b: {  	s0 =	simm.s32 @!p0 $0x2  }
0x4c: {  	_ =	swait.ge @!p0 [sflag:s0], s1  }
0x4d: {  	s1 =	ssub.s32 @!p0 $0x0, s1;
	[sflag:s0] =	ssyncset.done @!p0 $0x0  }
0x4e: {  	[sflag:s0] =	ssyncadd.s32 @!p0 s1  }
0x4f: {  	[bflag:$0x3] =	sbarrier.arrive $0xFFFF  }
0x50: {  	_ =	shalt  }

</sc_bundles>
